<compile_context>
chip_gen: v7x
topology: tpu7x:2x2x1
jax: 0.10.2.dev20260603
libtpu: 0.0.44.dev20260713+nightly
codegen_flags: <defaults>
</compile_context>

<pallas_src>
import functools

import jax
import jax.numpy as jnp
from jax import lax
from jax.experimental import pallas as pl
from jax.experimental.pallas import tpu as pltpu
from jax.experimental.pallas import tpu_sc as plsc

_BATCH = 16384
_DIM = 2048
_LANES = 16
_NC = 2
_NS = 16
_NW = _NC * _NS
_ROWS_PER_W = _BATCH // _NW
_CHUNK = 8
_NCHUNKS = _ROWS_PER_W // _CHUNK
_GROUPS = _DIM // _LANES
_CHUNK_ELEMS = _CHUNK * _DIM


def _shuffle_body(x_hbm, perm_hbm, out_hbm,
                  perm_v, in_a, in_b, out_a, out_b,
                  sem_ia, sem_ib, sem_oa, sem_ob):
  wid = lax.axis_index("s") * _NC + lax.axis_index("c")
  base = wid * _ROWS_PER_W

  pltpu.sync_copy(perm_hbm, perm_v)

  def in_slice(chunk):
    return x_hbm.at[pl.ds(base + chunk * _CHUNK, _CHUNK)]

  def out_slice(chunk):
    return out_hbm.at[pl.ds(base + chunk * _CHUNK, _CHUNK)]

  def compute(in_ref, out_ref):
    @pl.loop(0, _GROUPS)
    def _(g):
      col = g * _LANES
      pv = perm_v[pl.ds(col, _LANES)]
      for r in range(_CHUNK):
        ridx = jnp.full((_LANES,), r, jnp.int32)
        vals = plsc.load_gather(in_ref, [ridx, pv])
        out_ref[r, pl.ds(col, _LANES)] = vals

  pltpu.async_copy(in_slice(0), in_a, sem_ia)

  slots = ((in_a, out_a, sem_ia, sem_oa), (in_b, out_b, sem_ib, sem_ob))

  @pl.loop(0, _NCHUNKS, step=2)
  def _(c):
    for s in range(2):
      in_s, out_s, sem_i, sem_o = slots[s]
      in_n, _, sem_in, _ = slots[1 - s]
      chunk = c + s

      @pl.when(chunk + 1 < _NCHUNKS)
      def _():
        pltpu.async_copy(in_slice(chunk + 1), in_n, sem_in)

      pltpu.make_async_copy(in_slice(chunk), in_s, sem_i).wait()

      @pl.when(chunk >= 2)
      def _():
        pltpu.make_async_copy(out_s, out_slice(chunk - 2), sem_o).wait()

      compute(in_s, out_s)
      pltpu.async_copy(out_s, out_slice(chunk), sem_o)

  pltpu.make_async_copy(out_a, out_slice(_NCHUNKS - 2), sem_oa).wait()
  pltpu.make_async_copy(out_b, out_slice(_NCHUNKS - 1), sem_ob).wait()


@jax.jit
def _shuffle(x, perm):
  mesh = plsc.VectorSubcoreMesh(core_axis_name="c", subcore_axis_name="s")
  flat = pl.kernel(
      _shuffle_body,
      out_type=jax.ShapeDtypeStruct((_BATCH, _DIM), jnp.float32),
      mesh=mesh,
      compiler_params=pltpu.CompilerParams(needs_layout_passes=False),
      scratch_types=[
          pltpu.VMEM((_DIM,), jnp.int32),
          pltpu.VMEM((_CHUNK, _DIM), jnp.float32),
          pltpu.VMEM((_CHUNK, _DIM), jnp.float32),
          pltpu.VMEM((_CHUNK, _DIM), jnp.float32),
          pltpu.VMEM((_CHUNK, _DIM), jnp.float32),
          pltpu.SemaphoreType.DMA,
          pltpu.SemaphoreType.DMA,
          pltpu.SemaphoreType.DMA,
          pltpu.SemaphoreType.DMA,
      ],
  )(x, perm)
  return flat


def kernel(x, perm):
  out = _shuffle(x, perm.astype(jnp.int32))
  log_det = jnp.zeros((x.shape[0],), dtype=x.dtype)
  return (out, log_det)

# --- scband reference (transcript-rebuilt; emitter-appended) ---
"""Pipeline reference for scband-shuffle-1735166787730 (READ-ONLY COPY).

The authoritative reference and input builder live on the scoring server;
editing this copy changes nothing except your own understanding.
"""

import jax, jax.numpy as jnp
import numpy as np

INPUT_DIM = 2048
BATCH = 16384

def setup_inputs(seed: int = 0) -> dict:
    key = jax.random.key(seed)
    kx, kp = jax.random.split(key)
    x = jax.random.normal(kx, (BATCH, INPUT_DIM), dtype=jnp.float32)
    # fixed random permutation created at module init (torch.randperm equivalent)
    perm = jax.random.permutation(kp, INPUT_DIM).astype(jnp.int64)
    return {"x": x, "perm": perm}

def reference(x, perm):
    # Shuffle.forward: permute feature order, log-det of Jacobian is 0
    output = jnp.take(x, perm, axis=1)
    log_det = jnp.zeros((x.shape[0],), dtype=x.dtype)
    return (output, log_det)

if __name__ == "__main__":
    import jax
    _d = setup_inputs()
    print(jax.jit(kernel)(*tuple(_d.values())))

</pallas_src>

<mosaic_0001>
#map = affine_map<(d0, d1) -> (0, 0)>
#map1 = affine_map<(d0, d1) -> (0)>
module attributes {stable_mosaic.version = 14 : i64} {
  func.func @_shuffle_body(%arg0: i32, %arg1: i32, %arg2: memref<16384x2048xf32, #tpu.memory_space<hbm>>, %arg3: memref<2048xi32, #tpu.memory_space<hbm>>, %arg4: memref<16384x2048xf32, #tpu.memory_space<hbm>>, %arg5: memref<2048xi32, #tpu.memory_space<vmem>>, %arg6: memref<8x2048xf32, #tpu.memory_space<vmem>>, %arg7: memref<8x2048xf32, #tpu.memory_space<vmem>>, %arg8: memref<8x2048xf32, #tpu.memory_space<vmem>>, %arg9: memref<8x2048xf32, #tpu.memory_space<vmem>>, %arg10: memref<!tpu.dma_semaphore, #tpu.memory_space<semaphore_mem>>, %arg11: memref<!tpu.dma_semaphore, #tpu.memory_space<semaphore_mem>>, %arg12: memref<!tpu.dma_semaphore, #tpu.memory_space<semaphore_mem>>, %arg13: memref<!tpu.dma_semaphore, #tpu.memory_space<semaphore_mem>>) attributes {dimension_semantics = [#tpu.dimension_semantics<core_parallel>, #tpu.dimension_semantics<subcore_parallel>], iteration_bounds = array<i64: 2, 16>, scalar_prefetch = 0 : i64, scratch_operands = 9 : i64, tpu.core_type = #tpu.core_type<sc_vector_subcore>, window_params = [{transform_indices = #map}, {transform_indices = #map1}, {transform_indices = #map}]} {
    %mul3A = arith.constant 2 : i32
    %mul3A_0 = arith.muli %arg1, %mul3A : i32
    %add3A = arith.addi %mul3A_0, %arg0 : i32
    %mul3A_1 = arith.constant 512 : i32
    %mul3A_2 = arith.muli %add3A, %mul3A_1 : i32
    "tpu.region"() ({
      %run_scoped3A = tpu.sem_alloc : memref<!tpu.dma_semaphore, #tpu.memory_space<semaphore_mem>>
      tpu.enqueue_dma source(%arg3 : memref<2048xi32, #tpu.memory_space<hbm>>) target(%arg5 : memref<2048xi32, #tpu.memory_space<vmem>>) target_semaphore(%run_scoped3A : memref<!tpu.dma_semaphore, #tpu.memory_space<semaphore_mem>>)
      tpu.wait_dma2 semaphore(%run_scoped3A : memref<!tpu.dma_semaphore, #tpu.memory_space<semaphore_mem>>) src(%arg3 : memref<2048xi32, #tpu.memory_space<hbm>>) dst(%arg5 : memref<2048xi32, #tpu.memory_space<vmem>>)
      tpu.yield
    }) : () -> ()
    %add3A_3 = arith.constant 0 : i32
    %add3A_4 = arith.addi %mul3A_2, %add3A_3 : i32
    %dma_start3A = arith.constant 0 : i32
    %dma_start3A_5 = tpu.memref_slice %arg2[%add3A_4, %dma_start3A] : memref<16384x2048xf32, #tpu.memory_space<hbm>> -> memref<8x2048xf32, #tpu.memory_space<hbm>>
    %dma_start3A_6 = arith.constant 0 : i32
    %dma_start3A_7 = tpu.memref_slice %arg2[%add3A_4, %dma_start3A_6] : memref<16384x2048xf32, #tpu.memory_space<hbm>> -> memref<8x2048xf32, #tpu.memory_space<hbm>>
    tpu.enqueue_dma source(%dma_start3A_7 : memref<8x2048xf32, #tpu.memory_space<hbm>>) target(%arg6 : memref<8x2048xf32, #tpu.memory_space<vmem>>) target_semaphore(%arg10 : memref<!tpu.dma_semaphore, #tpu.memory_space<semaphore_mem>>)
    %scan3A = arith.constant 0 : i32
    %scan3A_8 = arith.constant 32 : i32
    %scan3A_9 = arith.addi %scan3A, %scan3A_8 : i32
    %scan3A_10 = arith.constant 1 : i32
    scf.for %scan3A_23 = %scan3A to %scan3A_9 step %scan3A_10  : i32 {
      %mul3A_24 = arith.constant 2 : i32
      %mul3A_25 = arith.muli %scan3A_23, %mul3A_24 : i32
      %add3A_26 = arith.constant 0 : i32
      %add3A_27 = arith.addi %add3A_26, %mul3A_25 : i32
      %add3A_28 = arith.constant 0 : i32
      %add3A_29 = arith.addi %add3A_27, %add3A_28 : i32
      %add3A_30 = arith.constant 1 : i32
      %add3A_31 = arith.addi %add3A_29, %add3A_30 : i32
      %lt3A = arith.constant 64 : i32
      %lt3A_32 = arith.cmpi slt, %add3A_31, %lt3A : i32
      %convert_element_type3A = arith.extui %lt3A_32 : i1 to i32
      %cond3A = arith.constant 0 : i32
      %cond3A_33 = arith.cmpi ne, %convert_element_type3A, %cond3A : i32
      scf.if %cond3A_33 {
        %add3A_90 = arith.constant 1 : i32
        %add3A_91 = arith.addi %add3A_29, %add3A_90 : i32
        %mul3A_92 = arith.constant 8 : i32
        %mul3A_93 = arith.muli %add3A_91, %mul3A_92 : i32
        %add3A_94 = arith.addi %mul3A_2, %mul3A_93 : i32
        %dma_start3A_95 = arith.constant 0 : i32
        %dma_start3A_96 = tpu.memref_slice %arg2[%add3A_94, %dma_start3A_95] : memref<16384x2048xf32, #tpu.memory_space<hbm>> -> memref<8x2048xf32, #tpu.memory_space<hbm>>
        %dma_start3A_97 = arith.constant 0 : i32
        %dma_start3A_98 = tpu.memref_slice %arg2[%add3A_94, %dma_start3A_97] : memref<16384x2048xf32, #tpu.memory_space<hbm>> -> memref<8x2048xf32, #tpu.memory_space<hbm>>
        tpu.enqueue_dma source(%dma_start3A_98 : memref<8x2048xf32, #tpu.memory_space<hbm>>) target(%arg7 : memref<8x2048xf32, #tpu.memory_space<vmem>>) target_semaphore(%arg11 : memref<!tpu.dma_semaphore, #tpu.memory_space<semaphore_mem>>)
      } else {
      }
      %mul3A_34 = arith.constant 8 : i32
      %mul3A_35 = arith.muli %add3A_29, %mul3A_34 : i32
      %add3A_36 = arith.addi %mul3A_2, %mul3A_35 : i32
      %dma_wait3A_37 = arith.constant 0 : i32
      %dma_wait3A_38 = tpu.memref_slice %arg2[%add3A_36, %dma_wait3A_37] : memref<16384x2048xf32, #tpu.memory_space<hbm>> -> memref<8x2048xf32, #tpu.memory_space<hbm>>
      %dma_wait3A_39 = arith.constant 0 : i32
      %dma_wait3A_40 = tpu.memref_slice %arg2[%add3A_36, %dma_wait3A_39] : memref<16384x2048xf32, #tpu.memory_space<hbm>> -> memref<8x2048xf32, #tpu.memory_space<hbm>>
      tpu.wait_dma2 semaphore(%arg10 : memref<!tpu.dma_semaphore, #tpu.memory_space<semaphore_mem>>) src(%dma_wait3A_40 : memref<8x2048xf32, #tpu.memory_space<hbm>>) dst(%arg6 : memref<8x2048xf32, #tpu.memory_space<vmem>>)
      %ge3A = arith.constant 2 : i32
      %ge3A_41 = arith.cmpi sge, %add3A_29, %ge3A : i32
      %convert_element_type3A_42 = arith.extui %ge3A_41 : i1 to i32
      %cond3A_43 = arith.constant 0 : i32
      %cond3A_44 = arith.cmpi ne, %convert_element_type3A_42, %cond3A_43 : i32
      scf.if %cond3A_44 {
        %sub3A = arith.constant 2 : i32
        %sub3A_90 = arith.subi %add3A_29, %sub3A : i32
        %mul3A_91 = arith.constant 8 : i32
        %mul3A_92 = arith.muli %sub3A_90, %mul3A_91 : i32
        %add3A_93 = arith.addi %mul3A_2, %mul3A_92 : i32
        %dma_wait3A_94 = arith.constant 0 : i32
        %dma_wait3A_95 = tpu.memref_slice %arg4[%add3A_93, %dma_wait3A_94] : memref<16384x2048xf32, #tpu.memory_space<hbm>> -> memref<8x2048xf32, #tpu.memory_space<hbm>>
        %dma_wait3A_96 = arith.constant 0 : i32
        %dma_wait3A_97 = tpu.memref_slice %arg4[%add3A_93, %dma_wait3A_96] : memref<16384x2048xf32, #tpu.memory_space<hbm>> -> memref<8x2048xf32, #tpu.memory_space<hbm>>
        tpu.wait_dma2 semaphore(%arg12 : memref<!tpu.dma_semaphore, #tpu.memory_space<semaphore_mem>>) src(%arg8 : memref<8x2048xf32, #tpu.memory_space<vmem>>) dst(%dma_wait3A_97 : memref<8x2048xf32, #tpu.memory_space<hbm>>)
      } else {
      }
      %scan3A_45 = arith.constant 0 : i32
      %scan3A_46 = arith.constant 128 : i32
      %scan3A_47 = arith.addi %scan3A_45, %scan3A_46 : i32
      %scan3A_48 = arith.constant 1 : i32
      scf.for %scan3A_90 = %scan3A_45 to %scan3A_47 step %scan3A_48  : i32 {
        %mul3A_91 = arith.constant 1 : i32
        %mul3A_92 = arith.muli %scan3A_90, %mul3A_91 : i32
        %add3A_93 = arith.constant 0 : i32
        %add3A_94 = arith.addi %add3A_93, %mul3A_92 : i32
        %mul3A_95 = arith.constant 16 : i32
        %mul3A_96 = arith.muli %add3A_94, %mul3A_95 : i32
        %get3A = arith.index_cast %mul3A_96 : i32 to index
        %get3A_97 = tpu.vector_load %arg5[%get3A] {strides = array<i32>} : memref<2048xi32, #tpu.memory_space<vmem>>, vector<16xi32>,
        %broadcast_in_dim3A = arith.constant 0 : i32
        %broadcast_in_dim3A_98 = vector.broadcast %broadcast_in_dim3A : i32 to vector<16xi32>
        %gather3A = tpu.vector_load_idx %arg6[%broadcast_in_dim3A_98, %get3A_97] : memref<8x2048xf32, #tpu.memory_space<vmem>>[vector<16xi32>, vector<16xi32>], vector<16xf32>,
        %swap3A = arith.constant 0 : i32
        %swap3A_99 = arith.index_cast %swap3A : i32 to index
        %swap3A_100 = arith.index_cast %mul3A_96 : i32 to index
        %swap3A_101 = tpu.vector_load %arg8[%swap3A_99, %swap3A_100] {strides = array<i32>} : memref<8x2048xf32, #tpu.memory_space<vmem>>, vector<16xf32>,
        tpu.vector_store %arg8[%swap3A_99, %swap3A_100], %gather3A {strides = array<i32>} : memref<8x2048xf32, #tpu.memory_space<vmem>>, vector<16xf32>,
        %broadcast_in_dim3A_102 = arith.constant 1 : i32
        %broadcast_in_dim3A_103 = vector.broadcast %broadcast_in_dim3A_102 : i32 to vector<16xi32>
        %gather3A_104 = tpu.vector_load_idx %arg6[%broadcast_in_dim3A_103, %get3A_97] : memref<8x2048xf32, #tpu.memory_space<vmem>>[vector<16xi32>, vector<16xi32>], vector<16xf32>,
        %swap3A_105 = arith.constant 1 : i32
        %swap3A_106 = arith.index_cast %swap3A_105 : i32 to index
        %swap3A_107 = arith.index_cast %mul3A_96 : i32 to index
        %swap3A_108 = tpu.vector_load %arg8[%swap3A_106, %swap3A_107] {strides = array<i32>} : memref<8x2048xf32, #tpu.memory_space<vmem>>, vector<16xf32>,
        tpu.vector_store %arg8[%swap3A_106, %swap3A_107], %gather3A_104 {strides = array<i32>} : memref<8x2048xf32, #tpu.memory_space<vmem>>, vector<16xf32>,
        %broadcast_in_dim3A_109 = arith.constant 2 : i32
        %broadcast_in_dim3A_110 = vector.broadcast %broadcast_in_dim3A_109 : i32 to vector<16xi32>
        %gather3A_111 = tpu.vector_load_idx %arg6[%broadcast_in_dim3A_110, %get3A_97] : memref<8x2048xf32, #tpu.memory_space<vmem>>[vector<16xi32>, vector<16xi32>], vector<16xf32>,
        %swap3A_112 = arith.constant 2 : i32
        %swap3A_113 = arith.index_cast %swap3A_112 : i32 to index
        %swap3A_114 = arith.index_cast %mul3A_96 : i32 to index
        %swap3A_115 = tpu.vector_load %arg8[%swap3A_113, %swap3A_114] {strides = array<i32>} : memref<8x2048xf32, #tpu.memory_space<vmem>>, vector<16xf32>,
        tpu.vector_store %arg8[%swap3A_113, %swap3A_114], %gather3A_111 {strides = array<i32>} : memref<8x2048xf32, #tpu.memory_space<vmem>>, vector<16xf32>,
        %broadcast_in_dim3A_116 = arith.constant 3 : i32
        %broadcast_in_dim3A_117 = vector.broadcast %broadcast_in_dim3A_116 : i32 to vector<16xi32>
        %gather3A_118 = tpu.vector_load_idx %arg6[%broadcast_in_dim3A_117, %get3A_97] : memref<8x2048xf32, #tpu.memory_space<vmem>>[vector<16xi32>, vector<16xi32>], vector<16xf32>,
        %swap3A_119 = arith.constant 3 : i32
        %swap3A_120 = arith.index_cast %swap3A_119 : i32 to index
        %swap3A_121 = arith.index_cast %mul3A_96 : i32 to index
        %swap3A_122 = tpu.vector_load %arg8[%swap3A_120, %swap3A_121] {strides = array<i32>} : memref<8x2048xf32, #tpu.memory_space<vmem>>, vector<16xf32>,
        tpu.vector_store %arg8[%swap3A_120, %swap3A_121], %gather3A_118 {strides = array<i32>} : memref<8x2048xf32, #tpu.memory_space<vmem>>, vector<16xf32>,
        %broadcast_in_dim3A_123 = arith.constant 4 : i32
        %broadcast_in_dim3A_124 = vector.broadcast %broadcast_in_dim3A_123 : i32 to vector<16xi32>
        %gather3A_125 = tpu.vector_load_idx %arg6[%broadcast_in_dim3A_124, %get3A_97] : memref<8x2048xf32, #tpu.memory_space<vmem>>[vector<16xi32>, vector<16xi32>], vector<16xf32>,
        %swap3A_126 = arith.constant 4 : i32
        %swap3A_127 = arith.index_cast %swap3A_126 : i32 to index
        %swap3A_128 = arith.index_cast %mul3A_96 : i32 to index
        %swap3A_129 = tpu.vector_load %arg8[%swap3A_127, %swap3A_128] {strides = array<i32>} : memref<8x2048xf32, #tpu.memory_space<vmem>>, vector<16xf32>,
        tpu.vector_store %arg8[%swap3A_127, %swap3A_128], %gather3A_125 {strides = array<i32>} : memref<8x2048xf32, #tpu.memory_space<vmem>>, vector<16xf32>,
        %broadcast_in_dim3A_130 = arith.constant 5 : i32
        %broadcast_in_dim3A_131 = vector.broadcast %broadcast_in_dim3A_130 : i32 to vector<16xi32>
        %gather3A_132 = tpu.vector_load_idx %arg6[%broadcast_in_dim3A_131, %get3A_97] : memref<8x2048xf32, #tpu.memory_space<vmem>>[vector<16xi32>, vector<16xi32>], vector<16xf32>,
        %swap3A_133 = arith.constant 5 : i32
        %swap3A_134 = arith.index_cast %swap3A_133 : i32 to index
        %swap3A_135 = arith.index_cast %mul3A_96 : i32 to index
        %swap3A_136 = tpu.vector_load %arg8[%swap3A_134, %swap3A_135] {strides = array<i32>} : memref<8x2048xf32, #tpu.memory_space<vmem>>, vector<16xf32>,
        tpu.vector_store %arg8[%swap3A_134, %swap3A_135], %gather3A_132 {strides = array<i32>} : memref<8x2048xf32, #tpu.memory_space<vmem>>, vector<16xf32>,
        %broadcast_in_dim3A_137 = arith.constant 6 : i32
        %broadcast_in_dim3A_138 = vector.broadcast %broadcast_in_dim3A_137 : i32 to vector<16xi32>
        %gather3A_139 = tpu.vector_load_idx %arg6[%broadcast_in_dim3A_138, %get3A_97] : memref<8x2048xf32, #tpu.memory_space<vmem>>[vector<16xi32>, vector<16xi32>], vector<16xf32>,
        %swap3A_140 = arith.constant 6 : i32
        %swap3A_141 = arith.index_cast %swap3A_140 : i32 to index
        %swap3A_142 = arith.index_cast %mul3A_96 : i32 to index
        %swap3A_143 = tpu.vector_load %arg8[%swap3A_141, %swap3A_142] {strides = array<i32>} : memref<8x2048xf32, #tpu.memory_space<vmem>>, vector<16xf32>,
        tpu.vector_store %arg8[%swap3A_141, %swap3A_142], %gather3A_139 {strides = array<i32>} : memref<8x2048xf32, #tpu.memory_space<vmem>>, vector<16xf32>,
        %broadcast_in_dim3A_144 = arith.constant 7 : i32
        %broadcast_in_dim3A_145 = vector.broadcast %broadcast_in_dim3A_144 : i32 to vector<16xi32>
        %gather3A_146 = tpu.vector_load_idx %arg6[%broadcast_in_dim3A_145, %get3A_97] : memref<8x2048xf32, #tpu.memory_space<vmem>>[vector<16xi32>, vector<16xi32>], vector<16xf32>,
        %swap3A_147 = arith.constant 7 : i32
        %swap3A_148 = arith.index_cast %swap3A_147 : i32 to index
        %swap3A_149 = arith.index_cast %mul3A_96 : i32 to index
        %swap3A_150 = tpu.vector_load %arg8[%swap3A_148, %swap3A_149] {strides = array<i32>} : memref<8x2048xf32, #tpu.memory_space<vmem>>, vector<16xf32>,
        tpu.vector_store %arg8[%swap3A_148, %swap3A_149], %gather3A_146 {strides = array<i32>} : memref<8x2048xf32, #tpu.memory_space<vmem>>, vector<16xf32>,
      }
      %scan3A_49 = arith.constant 128 : i32
      %mul3A_50 = arith.constant 8 : i32
      %mul3A_51 = arith.muli %add3A_29, %mul3A_50 : i32
      %add3A_52 = arith.addi %mul3A_2, %mul3A_51 : i32
      %dma_start3A_53 = arith.constant 0 : i32
      %dma_start3A_54 = tpu.memref_slice %arg4[%add3A_52, %dma_start3A_53] : memref<16384x2048xf32, #tpu.memory_space<hbm>> -> memref<8x2048xf32, #tpu.memory_space<hbm>>
      %dma_start3A_55 = arith.constant 0 : i32
      %dma_start3A_56 = tpu.memref_slice %arg4[%add3A_52, %dma_start3A_55] : memref<16384x2048xf32, #tpu.memory_space<hbm>> -> memref<8x2048xf32, #tpu.memory_space<hbm>>
      tpu.enqueue_dma source(%arg8 : memref<8x2048xf32, #tpu.memory_space<vmem>>) target(%dma_start3A_56 : memref<8x2048xf32, #tpu.memory_space<hbm>>) target_semaphore(%arg12 : memref<!tpu.dma_semaphore, #tpu.memory_space<semaphore_mem>>)
      %add3A_57 = arith.constant 1 : i32
      %add3A_58 = arith.addi %add3A_27, %add3A_57 : i32
      %add3A_59 = arith.constant 1 : i32
      %add3A_60 = arith.addi %add3A_58, %add3A_59 : i32
      %lt3A_61 = arith.constant 64 : i32
      %lt3A_62 = arith.cmpi slt, %add3A_60, %lt3A_61 : i32
      %convert_element_type3A_63 = arith.extui %lt3A_62 : i1 to i32
      %cond3A_64 = arith.constant 0 : i32
      %cond3A_65 = arith.cmpi ne, %convert_element_type3A_63, %cond3A_64 : i32
      scf.if %cond3A_65 {
        %add3A_90 = arith.constant 1 : i32
        %add3A_91 = arith.addi %add3A_58, %add3A_90 : i32
        %mul3A_92 = arith.constant 8 : i32
        %mul3A_93 = arith.muli %add3A_91, %mul3A_92 : i32
        %add3A_94 = arith.addi %mul3A_2, %mul3A_93 : i32
        %dma_start3A_95 = arith.constant 0 : i32
        %dma_start3A_96 = tpu.memref_slice %arg2[%add3A_94, %dma_start3A_95] : memref<16384x2048xf32, #tpu.memory_space<hbm>> -> memref<8x2048xf32, #tpu.memory_space<hbm>>
        %dma_start3A_97 = arith.constant 0 : i32
        %dma_start3A_98 = tpu.memref_slice %arg2[%add3A_94, %dma_start3A_97] : memref<16384x2048xf32, #tpu.memory_space<hbm>> -> memref<8x2048xf32, #tpu.memory_space<hbm>>
        tpu.enqueue_dma source(%dma_start3A_98 : memref<8x2048xf32, #tpu.memory_space<hbm>>) target(%arg6 : memref<8x2048xf32, #tpu.memory_space<vmem>>) target_semaphore(%arg10 : memref<!tpu.dma_semaphore, #tpu.memory_space<semaphore_mem>>)
      } else {
      }
      %mul3A_66 = arith.constant 8 : i32
      %mul3A_67 = arith.muli %add3A_58, %mul3A_66 : i32
      %add3A_68 = arith.addi %mul3A_2, %mul3A_67 : i32
      %dma_wait3A_69 = arith.constant 0 : i32
      %dma_wait3A_70 = tpu.memref_slice %arg2[%add3A_68, %dma_wait3A_69] : memref<16384x2048xf32, #tpu.memory_space<hbm>> -> memref<8x2048xf32, #tpu.memory_space<hbm>>
      %dma_wait3A_71 = arith.constant 0 : i32
      %dma_wait3A_72 = tpu.memref_slice %arg2[%add3A_68, %dma_wait3A_71] : memref<16384x2048xf32, #tpu.memory_space<hbm>> -> memref<8x2048xf32, #tpu.memory_space<hbm>>
      tpu.wait_dma2 semaphore(%arg11 : memref<!tpu.dma_semaphore, #tpu.memory_space<semaphore_mem>>) src(%dma_wait3A_72 : memref<8x2048xf32, #tpu.memory_space<hbm>>) dst(%arg7 : memref<8x2048xf32, #tpu.memory_space<vmem>>)
      %ge3A_73 = arith.constant 2 : i32
      %ge3A_74 = arith.cmpi sge, %add3A_58, %ge3A_73 : i32
      %convert_element_type3A_75 = arith.extui %ge3A_74 : i1 to i32
      %cond3A_76 = arith.constant 0 : i32
      %cond3A_77 = arith.cmpi ne, %convert_element_type3A_75, %cond3A_76 : i32
      scf.if %cond3A_77 {
        %sub3A = arith.constant 2 : i32
        %sub3A_90 = arith.subi %add3A_58, %sub3A : i32
        %mul3A_91 = arith.constant 8 : i32
        %mul3A_92 = arith.muli %sub3A_90, %mul3A_91 : i32
        %add3A_93 = arith.addi %mul3A_2, %mul3A_92 : i32
        %dma_wait3A_94 = arith.constant 0 : i32
        %dma_wait3A_95 = tpu.memref_slice %arg4[%add3A_93, %dma_wait3A_94] : memref<16384x2048xf32, #tpu.memory_space<hbm>> -> memref<8x2048xf32, #tpu.memory_space<hbm>>
        %dma_wait3A_96 = arith.constant 0 : i32
        %dma_wait3A_97 = tpu.memref_slice %arg4[%add3A_93, %dma_wait3A_96] : memref<16384x2048xf32, #tpu.memory_space<hbm>> -> memref<8x2048xf32, #tpu.memory_space<hbm>>
        tpu.wait_dma2 semaphore(%arg13 : memref<!tpu.dma_semaphore, #tpu.memory_space<semaphore_mem>>) src(%arg9 : memref<8x2048xf32, #tpu.memory_space<vmem>>) dst(%dma_wait3A_97 : memref<8x2048xf32, #tpu.memory_space<hbm>>)
      } else {
      }
      %scan3A_78 = arith.constant 0 : i32
      %scan3A_79 = arith.constant 128 : i32
      %scan3A_80 = arith.addi %scan3A_78, %scan3A_79 : i32
      %scan3A_81 = arith.constant 1 : i32
      scf.for %scan3A_90 = %scan3A_78 to %scan3A_80 step %scan3A_81  : i32 {
        %mul3A_91 = arith.constant 1 : i32
        %mul3A_92 = arith.muli %scan3A_90, %mul3A_91 : i32
        %add3A_93 = arith.constant 0 : i32
        %add3A_94 = arith.addi %add3A_93, %mul3A_92 : i32
        %mul3A_95 = arith.constant 16 : i32
        %mul3A_96 = arith.muli %add3A_94, %mul3A_95 : i32
        %get3A = arith.index_cast %mul3A_96 : i32 to index
        %get3A_97 = tpu.vector_load %arg5[%get3A] {strides = array<i32>} : memref<2048xi32, #tpu.memory_space<vmem>>, vector<16xi32>,
        %broadcast_in_dim3A = arith.constant 0 : i32
        %broadcast_in_dim3A_98 = vector.broadcast %broadcast_in_dim3A : i32 to vector<16xi32>
        %gather3A = tpu.vector_load_idx %arg7[%broadcast_in_dim3A_98, %get3A_97] : memref<8x2048xf32, #tpu.memory_space<vmem>>[vector<16xi32>, vector<16xi32>], vector<16xf32>,
        %swap3A = arith.constant 0 : i32
        %swap3A_99 = arith.index_cast %swap3A : i32 to index
        %swap3A_100 = arith.index_cast %mul3A_96 : i32 to index
        %swap3A_101 = tpu.vector_load %arg9[%swap3A_99, %swap3A_100] {strides = array<i32>} : memref<8x2048xf32, #tpu.memory_space<vmem>>, vector<16xf32>,
        tpu.vector_store %arg9[%swap3A_99, %swap3A_100], %gather3A {strides = array<i32>} : memref<8x2048xf32, #tpu.memory_space<vmem>>, vector<16xf32>,
        %broadcast_in_dim3A_102 = arith.constant 1 : i32
        %broadcast_in_dim3A_103 = vector.broadcast %broadcast_in_dim3A_102 : i32 to vector<16xi32>
        %gather3A_104 = tpu.vector_load_idx %arg7[%broadcast_in_dim3A_103, %get3A_97] : memref<8x2048xf32, #tpu.memory_space<vmem>>[vector<16xi32>, vector<16xi32>], vector<16xf32>,
        %swap3A_105 = arith.constant 1 : i32
        %swap3A_106 = arith.index_cast %swap3A_105 : i32 to index
        %swap3A_107 = arith.index_cast %mul3A_96 : i32 to index
        %swap3A_108 = tpu.vector_load %arg9[%swap3A_106, %swap3A_107] {strides = array<i32>} : memref<8x2048xf32, #tpu.memory_space<vmem>>, vector<16xf32>,
        tpu.vector_store %arg9[%swap3A_106, %swap3A_107], %gather3A_104 {strides = array<i32>} : memref<8x2048xf32, #tpu.memory_space<vmem>>, vector<16xf32>,
        %broadcast_in_dim3A_109 = arith.constant 2 : i32
        %broadcast_in_dim3A_110 = vector.broadcast %broadcast_in_dim3A_109 : i32 to vector<16xi32>
        %gather3A_111 = tpu.vector_load_idx %arg7[%broadcast_in_dim3A_110, %get3A_97] : memref<8x2048xf32, #tpu.memory_space<vmem>>[vector<16xi32>, vector<16xi32>], vector<16xf32>,
        %swap3A_112 = arith.constant 2 : i32
        %swap3A_113 = arith.index_cast %swap3A_112 : i32 to index
        %swap3A_114 = arith.index_cast %mul3A_96 : i32 to index
        %swap3A_115 = tpu.vector_load %arg9[%swap3A_113, %swap3A_114] {strides = array<i32>} : memref<8x2048xf32, #tpu.memory_space<vmem>>, vector<16xf32>,
        tpu.vector_store %arg9[%swap3A_113, %swap3A_114], %gather3A_111 {strides = array<i32>} : memref<8x2048xf32, #tpu.memory_space<vmem>>, vector<16xf32>,
        %broadcast_in_dim3A_116 = arith.constant 3 : i32
        %broadcast_in_dim3A_117 = vector.broadcast %broadcast_in_dim3A_116 : i32 to vector<16xi32>
        %gather3A_118 = tpu.vector_load_idx %arg7[%broadcast_in_dim3A_117, %get3A_97] : memref<8x2048xf32, #tpu.memory_space<vmem>>[vector<16xi32>, vector<16xi32>], vector<16xf32>,
        %swap3A_119 = arith.constant 3 : i32
        %swap3A_120 = arith.index_cast %swap3A_119 : i32 to index
        %swap3A_121 = arith.index_cast %mul3A_96 : i32 to index
        %swap3A_122 = tpu.vector_load %arg9[%swap3A_120, %swap3A_121] {strides = array<i32>} : memref<8x2048xf32, #tpu.memory_space<vmem>>, vector<16xf32>,
        tpu.vector_store %arg9[%swap3A_120, %swap3A_121], %gather3A_118 {strides = array<i32>} : memref<8x2048xf32, #tpu.memory_space<vmem>>, vector<16xf32>,
        %broadcast_in_dim3A_123 = arith.constant 4 : i32
        %broadcast_in_dim3A_124 = vector.broadcast %broadcast_in_dim3A_123 : i32 to vector<16xi32>
        %gather3A_125 = tpu.vector_load_idx %arg7[%broadcast_in_dim3A_124, %get3A_97] : memref<8x2048xf32, #tpu.memory_space<vmem>>[vector<16xi32>, vector<16xi32>], vector<16xf32>,
        %swap3A_126 = arith.constant 4 : i32
        %swap3A_127 = arith.index_cast %swap3A_126 : i32 to index
        %swap3A_128 = arith.index_cast %mul3A_96 : i32 to index
        %swap3A_129 = tpu.vector_load %arg9[%swap3A_127, %swap3A_128] {strides = array<i32>} : memref<8x2048xf32, #tpu.memory_space<vmem>>, vector<16xf32>,
        tpu.vector_store %arg9[%swap3A_127, %swap3A_128], %gather3A_125 {strides = array<i32>} : memref<8x2048xf32, #tpu.memory_space<vmem>>, vector<16xf32>,
        %broadcast_in_dim3A_130 = arith.constant 5 : i32
        %broadcast_in_dim3A_131 = vector.broadcast %broadcast_in_dim3A_130 : i32 to vector<16xi32>
        %gather3A_132 = tpu.vector_load_idx %arg7[%broadcast_in_dim3A_131, %get3A_97] : memref<8x2048xf32, #tpu.memory_space<vmem>>[vector<16xi32>, vector<16xi32>], vector<16xf32>,
        %swap3A_133 = arith.constant 5 : i32
        %swap3A_134 = arith.index_cast %swap3A_133 : i32 to index
        %swap3A_135 = arith.index_cast %mul3A_96 : i32 to index
        %swap3A_136 = tpu.vector_load %arg9[%swap3A_134, %swap3A_135] {strides = array<i32>} : memref<8x2048xf32, #tpu.memory_space<vmem>>, vector<16xf32>,
        tpu.vector_store %arg9[%swap3A_134, %swap3A_135], %gather3A_132 {strides = array<i32>} : memref<8x2048xf32, #tpu.memory_space<vmem>>, vector<16xf32>,
        %broadcast_in_dim3A_137 = arith.constant 6 : i32
        %broadcast_in_dim3A_138 = vector.broadcast %broadcast_in_dim3A_137 : i32 to vector<16xi32>
        %gather3A_139 = tpu.vector_load_idx %arg7[%broadcast_in_dim3A_138, %get3A_97] : memref<8x2048xf32, #tpu.memory_space<vmem>>[vector<16xi32>, vector<16xi32>], vector<16xf32>,
        %swap3A_140 = arith.constant 6 : i32
        %swap3A_141 = arith.index_cast %swap3A_140 : i32 to index
        %swap3A_142 = arith.index_cast %mul3A_96 : i32 to index
        %swap3A_143 = tpu.vector_load %arg9[%swap3A_141, %swap3A_142] {strides = array<i32>} : memref<8x2048xf32, #tpu.memory_space<vmem>>, vector<16xf32>,
        tpu.vector_store %arg9[%swap3A_141, %swap3A_142], %gather3A_139 {strides = array<i32>} : memref<8x2048xf32, #tpu.memory_space<vmem>>, vector<16xf32>,
        %broadcast_in_dim3A_144 = arith.constant 7 : i32
        %broadcast_in_dim3A_145 = vector.broadcast %broadcast_in_dim3A_144 : i32 to vector<16xi32>
        %gather3A_146 = tpu.vector_load_idx %arg7[%broadcast_in_dim3A_145, %get3A_97] : memref<8x2048xf32, #tpu.memory_space<vmem>>[vector<16xi32>, vector<16xi32>], vector<16xf32>,
        %swap3A_147 = arith.constant 7 : i32
        %swap3A_148 = arith.index_cast %swap3A_147 : i32 to index
        %swap3A_149 = arith.index_cast %mul3A_96 : i32 to index
        %swap3A_150 = tpu.vector_load %arg9[%swap3A_148, %swap3A_149] {strides = array<i32>} : memref<8x2048xf32, #tpu.memory_space<vmem>>, vector<16xf32>,
        tpu.vector_store %arg9[%swap3A_148, %swap3A_149], %gather3A_146 {strides = array<i32>} : memref<8x2048xf32, #tpu.memory_space<vmem>>, vector<16xf32>,
      }
      %scan3A_82 = arith.constant 128 : i32
      %mul3A_83 = arith.constant 8 : i32
      %mul3A_84 = arith.muli %add3A_58, %mul3A_83 : i32
      %add3A_85 = arith.addi %mul3A_2, %mul3A_84 : i32
      %dma_start3A_86 = arith.constant 0 : i32
      %dma_start3A_87 = tpu.memref_slice %arg4[%add3A_85, %dma_start3A_86] : memref<16384x2048xf32, #tpu.memory_space<hbm>> -> memref<8x2048xf32, #tpu.memory_space<hbm>>
      %dma_start3A_88 = arith.constant 0 : i32
      %dma_start3A_89 = tpu.memref_slice %arg4[%add3A_85, %dma_start3A_88] : memref<16384x2048xf32, #tpu.memory_space<hbm>> -> memref<8x2048xf32, #tpu.memory_space<hbm>>
      tpu.enqueue_dma source(%arg9 : memref<8x2048xf32, #tpu.memory_space<vmem>>) target(%dma_start3A_89 : memref<8x2048xf32, #tpu.memory_space<hbm>>) target_semaphore(%arg13 : memref<!tpu.dma_semaphore, #tpu.memory_space<semaphore_mem>>)
    }
    %scan3A_11 = arith.constant 32 : i32
    %add3A_12 = arith.constant 496 : i32
    %add3A_13 = arith.addi %mul3A_2, %add3A_12 : i32
    %dma_wait3A = arith.constant 0 : i32
    %dma_wait3A_14 = tpu.memref_slice %arg4[%add3A_13, %dma_wait3A] : memref<16384x2048xf32, #tpu.memory_space<hbm>> -> memref<8x2048xf32, #tpu.memory_space<hbm>>
    %dma_wait3A_15 = arith.constant 0 : i32
    %dma_wait3A_16 = tpu.memref_slice %arg4[%add3A_13, %dma_wait3A_15] : memref<16384x2048xf32, #tpu.memory_space<hbm>> -> memref<8x2048xf32, #tpu.memory_space<hbm>>
    tpu.wait_dma2 semaphore(%arg12 : memref<!tpu.dma_semaphore, #tpu.memory_space<semaphore_mem>>) src(%arg8 : memref<8x2048xf32, #tpu.memory_space<vmem>>) dst(%dma_wait3A_16 : memref<8x2048xf32, #tpu.memory_space<hbm>>)
    %add3A_17 = arith.constant 504 : i32
    %add3A_18 = arith.addi %mul3A_2, %add3A_17 : i32
    %dma_wait3A_19 = arith.constant 0 : i32
    %dma_wait3A_20 = tpu.memref_slice %arg4[%add3A_18, %dma_wait3A_19] : memref<16384x2048xf32, #tpu.memory_space<hbm>> -> memref<8x2048xf32, #tpu.memory_space<hbm>>
    %dma_wait3A_21 = arith.constant 0 : i32
    %dma_wait3A_22 = tpu.memref_slice %arg4[%add3A_18, %dma_wait3A_21] : memref<16384x2048xf32, #tpu.memory_space<hbm>> -> memref<8x2048xf32, #tpu.memory_space<hbm>>
    tpu.wait_dma2 semaphore(%arg13 : memref<!tpu.dma_semaphore, #tpu.memory_space<semaphore_mem>>) src(%arg9 : memref<8x2048xf32, #tpu.memory_space<vmem>>) dst(%dma_wait3A_22 : memref<8x2048xf32, #tpu.memory_space<hbm>>)
    return
  }
}

</mosaic_0001>

<sc_bundles>
// kernel: _shuffle.3.cloned.1.call-start
scs
__scs_entry_jumppad:
0x0: {  	(pc) =	sbr.rel $0x88, $3  }
0x1: {  	(tag) =	ssettag $0x0;
	lr =	simm.s32 $0x1  }
0x2: {  	[smem:$0x3F9F] =	sst lr;
	_ =	strace $0xD0000000  }
0x3: {  	_ = 	snop  }
0x4: {  	_ = 	snop  }
0x5: {  	_ = 	snop  }
0x6: {  	_ = 	snop  }
0x7: {  	_ = 	snop  }
__scs_overlays_trampoline_lowered:
0x8: {  	[smem:$0x3FAE] =	sst s0  }
0x9: {  	[smem:$0x3FAF] =	sst s1  }
0xa: {  	[smem:$0x3FB0] =	sst s2  }
0xb: {  	[smem:$0x3FB1] =	sst s3  }
0xc: {  	[smem:$0x3FB2] =	sst s4  }
0xd: {  	[smem:$0x3FB3] =	sst s5  }
0xe: {  	[smem:$0x3FB4] =	sst s6  }
0xf: {  	[smem:$0x3FB5] =	sst s7  }
0x10: {  	[smem:$0x3FB6] =	sst s8  }
0x11: {  	[smem:$0x3FB7] =	sst s9;
	s0 =	simm.s32 @!p0 $0x0  }
0x12: {  	s1 =	sld [smem:$0x3F9D];
	s0 =	simm.s32 @p0 $0x1  }
0x13: {  	[smem:$0x3FB8] =	sst s0;
	s0 =	simm.s32 @!p1 $0x0  }
0x14: {  	s2 =	sld [smem:$0x3F9C];
	s0 =	simm.s32 @p1 $0x1  }
0x15: {  	[smem:$0x3FB9] =	sst s0;
	s0 =	simm.s32 @!p2 $0x0  }
0x16: {  	s3 =	sld [smem:$0x3FDB];
	s0 =	simm.s32 @p2 $0x1  }
0x17: {  	s4 =	simm.s32 $0x1BF5;
	[smem:$0x3FBB] =	sst s0  }
0x18: {  	s0 =	sld [smem:$0x3F9E];
	_ =	swait.ge [sflag:s4], $0x0  }
0x19: {  	s7 =	sld [smem:$0x3F9F]  }
0x1a: {  	s8 =	sadd.s32 $0xFFFFE003, lr  }
0x1b: {  	s9 =	sadd.s32 $0xFFFFFEF7, lr;
	s5 =	simm.s32 $0xFFFFFFFF;
	p2 =	slt.u32 s8, $0xFFFFF086  }
0x1c: {  	p1 =	slt.u32 s9, $0xF7A;
	s5 =	simm.s32 @!p2 $0x0  }
0x1d: {  	s5 =	simm.s32 @p1 $0x1;
	p0 =	seq.s32 s7, s2  }
0x1e: {  	s7 =	smul.u32 @!p0 $0xF7A, s2;
	p2 =	seq.s32 @!p0 s5, $0x0  }
0x1f: {  	s9 =	smul.u32 $0xF7A, s1;
	s8 =	simm.s32 @!p0 $0x1BF5;
	p2 =	por !p2, p0  }
0x20: {  	[sflag:s8] =	ssyncset.s32 @!p0 $0xFFFFF086;
	s6 =	sadd.s32 @!p0 s3, s7;
	s7 =	simm.s32 @!p0 $0x108  }
0x21: {  	s3 =	sadd.s32 s3, s9;
	s6 =	sadd.s32 @!p0 $0x88, s6;
	s7 =	simm.s32 @p2 $0x1082  }
0x22: {  	[simem:s7], [sflag:s8] =	dma.local @!p0 [hbm:s6], $0xF7A  }
0x23: {  	s9 =	sor.u32 $0xD0000000, s2;
	s6 =	simm.s32 $0x108;
	_ =	swait.ge @!p0 [sflag:s8], $0x0  }
0x24: {  	s3 =	sadd.s32 $0x88, s3;
	s6 =	simm.s32 @!p1 $0x1082;
	[sflag:s4] =	ssyncset.s32 $0xFFFFF086  }
0x25: {  	[simem:s6], [sflag:s4] =	dma.local [hbm:s3], $0xF7A  }
0x26: {  	[smem:$0x3F9F] =	sst s1;
	(tag) =	ssettag s2;
	_ =	strace s9  }
0x27: {  	s1 =	sld [smem:$0x3FAF]  }
0x28: {  	s2 =	sld [smem:$0x3FB0]  }
0x29: {  	s4 =	sld [smem:$0x3FB2]  }
0x2a: {  	p0 =	seq.s32 s5, $0x0;
	s5 =	sld [smem:$0x3FB3]  }
0x2b: {  	s6 =	sld [smem:$0x3FB4]  }
0x2c: {  	s7 =	sld [smem:$0x3FB5]  }
0x2d: {  	s3 =	simm.s32 $0x108;
	s8 =	sld [smem:$0x3FB6]  }
0x2e: {  	s3 =	simm.s32 @!p0 $0x1082;
	s9 =	sld [smem:$0x3FB7]  }
0x2f: {  	lr =	sadd.s32 s0, s3;
	s0 =	sld [smem:$0x3FAE]  }
0x30: {  	s3 =	sld [smem:$0x3FB1]  }
0x31: {  	[smem:$0x3FBA] =	sst s10  }
0x32: {  	s10 =	sld [smem:$0x3FB8];
	_ =	sdelay $0x3  }
0x33: {  	p0 =	seq.s32 s10, $0x1;
	s10 =	sld [smem:$0x3FBA];
	_ =	sdelay $0x3  }
0x34: {  	[smem:$0x3FBA] =	sst s10  }
0x35: {  	s10 =	sld [smem:$0x3FB9];
	_ =	sdelay $0x3  }
0x36: {  	p1 =	seq.s32 s10, $0x1;
	s10 =	sld [smem:$0x3FBA];
	_ =	sdelay $0x3  }
0x37: {  	[smem:$0x3FBA] =	sst s10  }
0x38: {  	s10 =	sld [smem:$0x3FBB]  }
0x39: {  	_ = 	snop;
	(pc) =	sbr.ind lr, $3  }
0x3a: {  	_ = 	snop  }
0x3b: {  	_ = 	snop  }
0x3c: {  	p2 =	seq.s32 s10, $0x1;
	s10 =	sld [smem:$0x3FBA]  }
0x3d: {  	_ =	shalt  }
0x3e: {  	_ =	shalt  }
0x3f: {  	_ =	shalt  }
0x40: {  	_ =	shalt  }
0x41: {  	_ =	shalt  }
0x42: {  	_ =	shalt  }
0x43: {  	_ =	shalt  }
0x44: {  	_ =	shalt  }
0x45: {  	_ =	shalt  }
0x46: {  	_ =	shalt  }
0x47: {  	_ =	shalt  }
0x48: {  	_ =	shalt  }
0x49: {  	_ =	shalt  }
0x4a: {  	_ =	shalt  }
0x4b: {  	_ =	shalt  }
0x4c: {  	_ =	shalt  }
0x4d: {  	_ =	shalt  }
0x4e: {  	_ =	shalt  }
0x4f: {  	_ =	shalt  }
0x50: {  	_ =	shalt  }
0x51: {  	_ =	shalt  }
0x52: {  	_ =	shalt  }
0x53: {  	_ =	shalt  }
0x54: {  	_ =	shalt  }
0x55: {  	_ =	shalt  }
0x56: {  	_ =	shalt  }
0x57: {  	_ =	shalt  }
0x58: {  	_ =	shalt  }
0x59: {  	_ =	shalt  }
0x5a: {  	_ =	shalt  }
0x5b: {  	_ =	shalt  }
0x5c: {  	_ =	shalt  }
0x5d: {  	_ =	shalt  }
0x5e: {  	_ =	shalt  }
0x5f: {  	_ =	shalt  }
0x60: {  	_ =	shalt  }
0x61: {  	_ =	shalt  }
0x62: {  	_ =	shalt  }
0x63: {  	_ =	shalt  }
0x64: {  	_ =	shalt  }
0x65: {  	_ =	shalt  }
0x66: {  	_ =	shalt  }
0x67: {  	_ =	shalt  }
0x68: {  	_ =	shalt  }
0x69: {  	_ =	shalt  }
0x6a: {  	_ =	shalt  }
0x6b: {  	_ =	shalt  }
0x6c: {  	_ =	shalt  }
0x6d: {  	_ =	shalt  }
0x6e: {  	_ =	shalt  }
0x6f: {  	_ =	shalt  }
0x70: {  	_ =	shalt  }
0x71: {  	_ =	shalt  }
0x72: {  	_ =	shalt  }
0x73: {  	_ =	shalt  }
0x74: {  	_ =	shalt  }
0x75: {  	_ =	shalt  }
0x76: {  	_ =	shalt  }
0x77: {  	_ =	shalt  }
0x78: {  	_ =	shalt  }
0x79: {  	_ =	shalt  }
0x7a: {  	_ =	shalt  }
0x7b: {  	_ =	shalt  }
0x7c: {  	_ =	shalt  }
0x7d: {  	_ =	shalt  }
0x7e: {  	_ =	shalt  }
0x7f: {  	_ =	shalt  }
0x80: {  	_ =	shalt  }
0x81: {  	_ =	shalt  }
0x82: {  	_ =	shalt  }
0x83: {  	_ =	shalt  }
0x84: {  	_ =	shalt  }
0x85: {  	_ =	shalt  }
0x86: {  	_ =	shalt  }
0x87: {  	_ =	shalt  }
.Lfunc_end0:
.L_simem_size_0:
called_computation_lowered:
.L_overlay_start_0:
0x88: {  	s2 =	sld [smem:$0x3FD9]  }
0x89: {  	s3 =	sld [smem:$0x3FFE];
	_ =	sdelay $0x1  }
0x8a: {  	s1 =	srdreg.scid  }
0x8b: {  	s0 =	sand.u32 $0x1, s1  }
0x8c: {  	s18 =	sshll.u32 s0, $0xA;
	s2 =	sadd.s32 s3, s2  }
0x8d: {  	s2 =	sadd.s32 s2, s18  }
0x8e: {  	[smem:$0x3FC6] =	sst s2  }
0x8f: {  	_ = 	snop  }
0x90: {  	s2 =	sld [smem:$0x3FC9]  }
0x91: {  	s19 =	sld [smem:$0x3FC8]  }
0x92: {  	s4 =	sld [smem:$0x3FD0];
	(tm) =	ssettm $0x1  }
0x93: {  	s5 =	sld [smem:$0x3FFB];
	_ =	sdelay $0x3  }
0x94: {  	_ =	strace s5  }
0x95: {  	s5 =	sld [smem:$0x3FFC];
	_ =	sdelay $0x3  }
0x96: {  	_ =	strace s5  }
0x97: {  	s5 =	sld [smem:$0x3FFD];
	_ =	sdelay $0x3  }
0x98: {  	_ =	strace s5  }
0x99: {  	_ =	strace $0x8FFFFFFF  }
0x9a: {  	s20 =	sld [smem:$0x3FDB];
	_ =	sdelay $0x1  }
0x9b: {  	s6 =	simm.s32 $_scs_section_size  }
0x9c: {  	s7 =	simm.s32 $_size__tile_overlayer_lowered;
	s8 =	simm.s32 $_tile_overlayer_lowered  }
0x9d: {  	s23 =	simm.s32 $0x1BFF;
	s22 =	sshll.u32 s8, $0x1;
	s5 =	sadd.s32 s6, s20  }
0x9e: {  	s9 =	simm.s32 $0x0;
	s21 =	sshll.u32 s7, $0x1;
	s7 =	sadd.s32 s22, s5  }
0x9f: {  	[timem:s9], [sflag:s23] =	dma.local [hbm:s7], s21  }
0xa0: {  	_ =	swait.ge [sflag:s23], s21  }
0xa1: {  	s6 =	ssub.s32 $0x0, s21;
	[sflag:s23] =	ssyncset.done $0x0  }
0xa2: {  	[sflag:s23] =	ssyncadd.s32 s6;
	_ =	sdelay $0x1  }
0xa3: {  	s24 =	simm.s32 $0x1B8B  }
0xa4: {  	_ =	swait.ge [sflag:s24], $0x1  }
0xa5: {  	[sflag:s24] =	ssyncset.done $0x0  }
0xa6: {  	s25 =	simm.s32 $0x1B8E;
	[sflag:s24] =	ssyncadd.s32 $0xFFFFFFFF  }
0xa7: {  	s26 =	simm.s32 $execute0_lowered;
	[smem:$0x3FD2] =	sst s25  }
0xa8: {  	s6 =	sshll.u32 s26, $0x1;
	_ =	strace $0x80000046;
	[dreg:$0x1] =	wrdreg $0xFFFFFFFF  }
0xa9: {  	s28 =	simm.s32 $_size_execute0_lowered;
	s5 =	sadd.s32 s5, s6;
	[dreg:$0x0] =	wrdreg $0x0  }
0xaa: {  	s6 =	sshll.u32 s28, $0x1;
	[dreg:$0x2] =	wrdreg s5  }
0xab: {  	[dreg:$0x3] =	wrdreg s6  }
0xac: {  	[dreg:$0x4] =	wrdreg $0xC0  }
0xad: {  	_ =	task [dreg:s9], $0x5FFFF  }
0xae: {  	[dreg:$0x1] =	wrdreg $0xFFFFFFFF  }
0xaf: {  	[dreg:$0x0] =	wrdreg $0x60  }
0xb0: {  	[dreg:$0x2] =	wrdreg s2  }
0xb1: {  	[dreg:$0x3] =	wrdreg s19  }
0xb2: {  	[dreg:$0x4] =	wrdreg s4  }
0xb3: {  	[dreg:$0x5] =	wrdreg $0x9  }
0xb4: {  	_ =	task.clear_ibuf [dreg:s9], $0x6FFFF;
	_ =	strace $0x90000046  }
0xb5: {  	s29 =	simm.s32 $0x9;
	_ =	strace $0x80000048  }
0xb6: {  	_ =	swait.ge [sflag:s29], $0x1  }
0xb7: {  	[sflag:s29] =	ssyncadd.s32 $0xFFFFFFFF  }
0xb8: {  	_ =	strace $0x90000048  }
0xb9: {  	_ =	sfence  }
0xba: {  	s30 =	sld [smem:$0x0];
	_ =	sdelay $0x2  }
0xbb: {  	s31 =	sshll.u32 s1, $0xD;
	s1 =	sshrl.u32 s1, $0x2  }
0xbc: {  	s3 =	sand.u32 $0x4000, s31;
	s1 =	sadd.s32 s1, s30  }
0xbd: {  	s0 =	sor.u32 s3, s0;
	s1 =	sshll.u32 s1, $0x11  }
0xbe: {  	s0 =	sor.u32 s1, s0  }
0xbf: {  	s0 =	sadd.s32 $0x8F2B, s0  }
0xc0: {  	[sflag:s0] =	ssyncadd.remote.s32 $0x1  }
0xc1: {  	_ =	sfence.sel $0xFFFF  }
0xc2: {  	[dreg:$0x0] =	wrdreg $0xFFFFFFFF;
	(pc) =	sbr.abs _section_cstart, $3  }
0xc3: {  	[dreg:$0x1] =	wrdreg $0xFFFFFFFF  }
0xc4: {  	_ =	task.clear_ibuf [dreg:s9], $0x2FFFF;
	_ =	strace $0x9FFFFFFF  }
0xc5: {  	(tm) =	ssettm $0x7FFFFFFF  }
tec
execute0_lowered:
.L_overlay_start_1:
0x0: {  	(tag) =	ssettag $0x1  }
0x1: {  	s1 =	rddreg [dreg:$0x0]  }
0x2: {  	s2 =	rddreg [dreg:$0x1]  }
0x3: {  	s4 =	rddreg [dreg:$0x2]  }
0x4: {  	s0 =	rddreg [dreg:$0x3];
	s6 =	srdreg.scid  }
0x5: {  	s5 =	simm.s32 $0x0;
	s3 =	stileid.u32;
	s11 =	simm.s32 $0x5  }
0x6: {  	s12 =	simm.s32 $0x800;
	s13 =	simm.s32 $0x4800;
	s14 =	simm.s32 $0x1  }
0x7: {  	s15 =	simm.s32 $0x8800;
	s16 =	simm.s32 $0x2;
	s17 =	simm.s32 $0x4  }
0x8: {  	s18 =	simm.s32 $0xC800;
	s19 =	simm.s32 $0x3;
	s6 =	sand.u32 $0x1, s6  }
0x9: {  	s8 =	sshll.u32 s3, $0xA;
	s7 =	ssub.s32 $0x2, s6;
	s6 =	sshll.u32 s6, $0x9  }
0xa: {  	s20 =	simm.s32 $0x0;
	[smem:$0x7FF] =	sst s5;
	s8 =	sor.u32 s6, s8  }
0xb: {  	_ =	strace $0x80000047;
	s9 =	sshrl.u32 s7, $0x1;
	s31 =	sshll.u32 s8, $0x8  }
0xc: {  	s10 =	ssub.s32 s7, s9;
	s7 =	sshrl.u32 s8, $0x3;
	s6 =	sadd.s32 s1, s31  }
0xd: {  	s8 =	sadd.s32 s4, s31;
	s9 =	sor.u32 $0x2, s7;
	s10 =	smax.u32 s10, $0x1  }
.LBB2_1:
0xe: {  	[tilespmem:s5], [sflag:$0x5] =	stream.linear.gather [hbm4b:s2+s5], $0x800, $0x38;
	[tilespmem:$0x10800] =	vst v63  }
0xf: {  	_ =	swait.ge [sflag:s11], $0x800  }
0x10: {  	[sflag:s11] =	ssyncset.done $0x0  }
0x11: {  	s21 =	simm.s32 $0x0;
	[sflag:s11] =	ssyncadd.s32 $0xFFFFF800  }
0x12: {  	[tilespmem:s12], [sflag:$0x1] =	stream.linear.gather [hbm4b:s6+s5], $0x4000, $0x38;
	[tilespmem:$0x10800] =	vst v63  }
.LBB2_2:
0x13: {  	s23 =	sshll.u32 s21, $0x1  }
0x14: {  	s22 =	sadd.s32 s23, s7  }
0x15: {  	s22 =	sshll.u32 s22, $0xB  }
0x16: {  	s22 =	sadd.s32 $0x800, s22  }
0x17: {  	s24 =	sadd.s32 s1, s22  }
0x18: {  	[tilespmem:s13], [sflag:$0x2] =	stream.linear.gather [hbm4b:s24+s5], $0x4000, $0x38;
	[tilespmem:$0x10800] =	vst v63  }
0x19: {  	_ =	swait.ge [sflag:s14], $0x4000  }
0x1a: {  	p0 =	seq.s32 s21, $0x0;
	[sflag:s14] =	ssyncset.done $0x0  }
0x1b: {  	s24 =	simm.s32 @!p0 $0x3;
	[sflag:s14] =	ssyncadd.s32 $0xFFFFC000  }
0x1c: {  	_ =	swait.ge @!p0 [sflag:s24], $0x4000  }
0x1d: {  	[sflag:s24] =	ssyncset.done @!p0 $0x0  }
0x1e: {  	[sflag:s24] =	ssyncadd.s32 @!p0 $0xFFFFC000;
	s24 =	simm.s32 $0x0  }
0x1f: {  	v0 =	vld [tilespmem:s24+$0x0];
	_ =	sdelay $0x4  }
0x20: {  	v1 =	vshll.u32 v0, $0x3  }
0x21: {  	v0 =	vand.u32 $0x7F, v0;
	v1 =	vand.u32 $0xFFFFFC00, v1  }
0x22: {  	v0 =	vor.u32 v0, v1;
	_ =	sdelay $0x4  }
0x23: {  	v1 =	vld.idx.msk [tilespmem:v0+s12+$0x0], $0xffff  }
0x24: {  	v2 =	vor.u32 $0x80, v0;
	_ =	sdelay $0x1  }
0x25: {  	s25 =	sand.u32 $0x70, s24;
	s26 =	sand.u32 $0x3C00, s24  }
0x26: {  	s26 =	sor.u32 s25, s26  }
0x27: {  	[tilespmem:s26+$0x8800] =	vst v1  }
0x28: {  	v1 =	vld.idx.msk [tilespmem:v2+s12+$0x0], $0xffff  }
0x29: {  	v2 =	vor.u32 $0x100, v0;
	_ =	sdelay $0x3  }
0x2a: {  	[tilespmem:s26+$0x8880] =	vst v1  }
0x2b: {  	v1 =	vld.idx.msk [tilespmem:v2+s12+$0x0], $0xffff  }
0x2c: {  	v2 =	vor.u32 $0x180, v0;
	_ =	sdelay $0x3  }
0x2d: {  	[tilespmem:s26+$0x8900] =	vst v1  }
0x2e: {  	v1 =	vld.idx.msk [tilespmem:v2+s12+$0x0], $0xffff  }
0x2f: {  	v2 =	vor.u32 $0x200, v0;
	_ =	sdelay $0x3  }
0x30: {  	[tilespmem:s26+$0x8980] =	vst v1  }
0x31: {  	v1 =	vld.idx.msk [tilespmem:v2+s12+$0x0], $0xffff  }
0x32: {  	v2 =	vor.u32 $0x280, v0;
	_ =	sdelay $0x3  }
0x33: {  	[tilespmem:s26+$0x8A00] =	vst v1  }
0x34: {  	v1 =	vld.idx.msk [tilespmem:v2+s12+$0x0], $0xffff  }
0x35: {  	v2 =	vor.u32 $0x300, v0;
	_ =	sdelay $0x3  }
0x36: {  	[tilespmem:s26+$0x8A80] =	vst v1  }
0x37: {  	v1 =	vld.idx.msk [tilespmem:v2+s12+$0x0], $0xffff  }
0x38: {  	v0 =	vor.u32 $0x380, v0;
	_ =	sdelay $0x3  }
0x39: {  	[tilespmem:s26+$0x8B00] =	vst v1  }
0x3a: {  	v0 =	vld.idx.msk [tilespmem:v0+s12+$0x0], $0xffff  }
0x3b: {  	s30 =	sand.u32 $0x7, s24  }
0x3c: {  	s28 =	sshll.u32 s30, $0x4  }
0x3d: {  	s25 =	simm.s32 $0x10;
	s31 =	sadd.s32 $0x0, s28  }
0x3e: {  	s28 =	simm.s32 $0x0;
	s29 =	sor.u32 $0x380, s31;
	s26 =	simm.s32 $0x0  }
.LBB2_3:
0x3f: {  	[tilespmem:s29+$0x8800] =	vst v0;
	s24 =	sadd.s32 $0x80, s24;
	s26 =	sadd.s32 $0x1, s26;
	s28 =	sadd.s32 $0x10, s28  }
0x40: {  	p1 =	sne.s32 s25, $0x7F0;
	s29 =	smov.u32 s25;
	s25 =	sadd.s32 $0x10, s25;
	v0 =	vld [tilespmem:s28+$0x0]  }
0x41: {  	_ =	sdelay $0x3  }
0x42: {  	v1 =	vshll.u32 v0, $0x3  }
0x43: {  	v0 =	vand.u32 $0x7F, v0;
	v1 =	vand.u32 $0xFFFFFC00, v1  }
0x44: {  	v0 =	vor.u32 v0, v1;
	_ =	sdelay $0x4  }
0x45: {  	v1 =	vld.idx.msk [tilespmem:v0+s12+$0x0], $0xffff;
	_ =	sdelay $0x1  }
0x46: {  	v2 =	vor.u32 $0x80, v0;
	_ =	sdelay $0x1  }
0x47: {  	s29 =	sand.u32 $0x70, s29;
	s30 =	sand.u32 $0x3C00, s24  }
0x48: {  	s29 =	sor.u32 s29, s30  }
0x49: {  	[tilespmem:s29+$0x8800] =	vst v1  }
0x4a: {  	v1 =	vld.idx.msk [tilespmem:v2+s12+$0x0], $0xffff;
	_ =	sdelay $0x1  }
0x4b: {  	v2 =	vor.u32 $0x100, v0;
	_ =	sdelay $0x3  }
0x4c: {  	[tilespmem:s29+$0x8880] =	vst v1  }
0x4d: {  	v1 =	vld.idx.msk [tilespmem:v2+s12+$0x0], $0xffff;
	_ =	sdelay $0x1  }
0x4e: {  	v2 =	vor.u32 $0x180, v0;
	_ =	sdelay $0x3  }
0x4f: {  	[tilespmem:s29+$0x8900] =	vst v1  }
0x50: {  	v1 =	vld.idx.msk [tilespmem:v2+s12+$0x0], $0xffff;
	_ =	sdelay $0x1  }
0x51: {  	v2 =	vor.u32 $0x200, v0;
	_ =	sdelay $0x3  }
0x52: {  	[tilespmem:s29+$0x8980] =	vst v1  }
0x53: {  	v1 =	vld.idx.msk [tilespmem:v2+s12+$0x0], $0xffff;
	_ =	sdelay $0x1  }
0x54: {  	v2 =	vor.u32 $0x280, v0;
	_ =	sdelay $0x3  }
0x55: {  	[tilespmem:s29+$0x8A00] =	vst v1  }
0x56: {  	v1 =	vld.idx.msk [tilespmem:v2+s12+$0x0], $0xffff;
	_ =	sdelay $0x1  }
0x57: {  	v2 =	vor.u32 $0x300, v0;
	_ =	sdelay $0x3  }
0x58: {  	[tilespmem:s29+$0x8A80] =	vst v1  }
0x59: {  	v1 =	vld.idx.msk [tilespmem:v2+s12+$0x0], $0xffff;
	_ =	sdelay $0x1  }
0x5a: {  	v0 =	vor.u32 $0x380, v0;
	_ =	sdelay $0x3  }
0x5b: {  	[tilespmem:s29+$0x8B00] =	vst v1  }
0x5c: {  	v0 =	vld.idx.msk [tilespmem:v0+s12+$0x0], $0xffff  }
.Ltmp0:
0x5d: {  	(pc) =	sbr.rel @p1 .LBB2_3-.Ltmp0, $4  }
0x5e: {  	s29 =	sand.u32 $0x7, s26  }
0x5f: {  	s29 =	sshll.u32 s29, $0x4  }
0x60: {  	s29 =	sadd.s32 s29, s24  }
0x61: {  	s29 =	sor.u32 $0x380, s29  }
0x62: {  	p1 =	sne.s32 s21, $0x1F  }
.Ltmp1:
0x63: {  	_ = 	snop;
	(pc) =	sbr.rel @p1 .LBB2_6-.Ltmp1, $4  }
0x64: {  	_ = 	snop  }
0x65: {  	s24 =	sshll.u32 s21, $0xC  }
0x66: {  	[tilespmem:s29+$0x8800] =	vst v0;
	s24 =	sadd.s32 s24, s8  }
0x67: {  	[hbm4b:s24+s5] =	stream.linear.scatter [tilespmem:s15], [sflag:$0x3], $0x4000, $0x38;
	[tilespmem:$0x10800] =	vst v63  }
.Ltmp2:
0x68: {  	(pc) =	sbr.rel .LBB2_7-.Ltmp2, $4  }
0x69: {  	_ = 	snop  }
0x6a: {  	_ =	swait.ge [sflag:s16], $0x4000  }
0x6b: {  	[sflag:s16] =	ssyncset.done $0x0  }
0x6c: {  	[sflag:s16] =	ssyncadd.s32 $0xFFFFC000  }
.LBB2_6:
0x6d: {  	s23 =	sadd.s32 s23, s9  }
0x6e: {  	s23 =	sshll.u32 s23, $0xB  }
0x6f: {  	s23 =	sand.u32 $0x1FFFF000, s23  }
.Ltmp3:
0x70: {  	s23 =	sadd.s32 s1, s23;
	(pc) =	sbr.rel @p0 .LBB2_8-.Ltmp3, $4  }
0x71: {  	[tilespmem:s12], [sflag:$0x1] =	stream.linear.gather [hbm4b:s23+s5], $0x4000, $0x38;
	[tilespmem:$0x10800] =	vst v63  }
0x72: {  	_ =	swait.ge [sflag:s16], $0x4000  }
0x73: {  	[sflag:s16] =	ssyncset.done $0x0  }
0x74: {  	[sflag:s16] =	ssyncadd.s32 $0xFFFFC000  }
.LBB2_7:
0x75: {  	_ =	swait.ge [sflag:s17], $0x4000  }
0x76: {  	[sflag:s17] =	ssyncset.done $0x0  }
0x77: {  	[sflag:s17] =	ssyncadd.s32 $0xFFFFC000  }
.LBB2_8:
0x78: {  	s23 =	simm.s32 $0x0  }
0x79: {  	v0 =	vld [tilespmem:s23+$0x0];
	_ =	sdelay $0x4  }
0x7a: {  	v1 =	vshll.u32 v0, $0x3  }
0x7b: {  	v0 =	vand.u32 $0x7F, v0;
	v1 =	vand.u32 $0xFFFFFC00, v1  }
0x7c: {  	v0 =	vor.u32 v0, v1;
	_ =	sdelay $0x4  }
0x7d: {  	v1 =	vld.idx.msk [tilespmem:v0+s13+$0x0], $0xffff  }
0x7e: {  	v2 =	vor.u32 $0x80, v0;
	_ =	sdelay $0x1  }
0x7f: {  	s24 =	sand.u32 $0x70, s23;
	s25 =	sand.u32 $0x3C00, s23  }
0x80: {  	s25 =	sor.u32 s24, s25  }
0x81: {  	[tilespmem:s25+$0xC800] =	vst v1  }
0x82: {  	v1 =	vld.idx.msk [tilespmem:v2+s13+$0x0], $0xffff  }
0x83: {  	v2 =	vor.u32 $0x100, v0;
	_ =	sdelay $0x3  }
0x84: {  	[tilespmem:s25+$0xC880] =	vst v1  }
0x85: {  	v1 =	vld.idx.msk [tilespmem:v2+s13+$0x0], $0xffff  }
0x86: {  	v2 =	vor.u32 $0x180, v0;
	_ =	sdelay $0x3  }
0x87: {  	[tilespmem:s25+$0xC900] =	vst v1  }
0x88: {  	v1 =	vld.idx.msk [tilespmem:v2+s13+$0x0], $0xffff  }
0x89: {  	v2 =	vor.u32 $0x200, v0;
	_ =	sdelay $0x3  }
0x8a: {  	[tilespmem:s25+$0xC980] =	vst v1  }
0x8b: {  	v1 =	vld.idx.msk [tilespmem:v2+s13+$0x0], $0xffff  }
0x8c: {  	v2 =	vor.u32 $0x280, v0;
	_ =	sdelay $0x3  }
0x8d: {  	[tilespmem:s25+$0xCA00] =	vst v1  }
0x8e: {  	v1 =	vld.idx.msk [tilespmem:v2+s13+$0x0], $0xffff  }
0x8f: {  	v2 =	vor.u32 $0x300, v0;
	_ =	sdelay $0x3  }
0x90: {  	[tilespmem:s25+$0xCA80] =	vst v1  }
0x91: {  	v1 =	vld.idx.msk [tilespmem:v2+s13+$0x0], $0xffff  }
0x92: {  	v0 =	vor.u32 $0x380, v0;
	_ =	sdelay $0x3  }
0x93: {  	[tilespmem:s25+$0xCB00] =	vst v1  }
0x94: {  	v0 =	vld.idx.msk [tilespmem:v0+s13+$0x0], $0xffff  }
0x95: {  	s30 =	sand.u32 $0x7, s23  }
0x96: {  	s26 =	sshll.u32 s30, $0x4  }
0x97: {  	s24 =	simm.s32 $0x10;
	s31 =	sadd.s32 $0x0, s26  }
0x98: {  	s26 =	simm.s32 $0x0;
	s28 =	sor.u32 $0x380, s31;
	s25 =	simm.s32 $0x0  }
.LBB2_9:
0x99: {  	[tilespmem:s28+$0xC800] =	vst v0;
	s23 =	sadd.s32 $0x80, s23;
	s25 =	sadd.s32 $0x1, s25;
	s26 =	sadd.s32 $0x10, s26  }
0x9a: {  	p0 =	sne.s32 s24, $0x7F0;
	s28 =	smov.u32 s24;
	s24 =	sadd.s32 $0x10, s24;
	v0 =	vld [tilespmem:s26+$0x0]  }
0x9b: {  	_ =	sdelay $0x3  }
0x9c: {  	v1 =	vshll.u32 v0, $0x3  }
0x9d: {  	v0 =	vand.u32 $0x7F, v0;
	v1 =	vand.u32 $0xFFFFFC00, v1  }
0x9e: {  	v0 =	vor.u32 v0, v1;
	_ =	sdelay $0x4  }
0x9f: {  	v1 =	vld.idx.msk [tilespmem:v0+s13+$0x0], $0xffff;
	_ =	sdelay $0x1  }
0xa0: {  	v2 =	vor.u32 $0x80, v0;
	_ =	sdelay $0x1  }
0xa1: {  	s28 =	sand.u32 $0x70, s28;
	s29 =	sand.u32 $0x3C00, s23  }
0xa2: {  	s28 =	sor.u32 s28, s29  }
0xa3: {  	[tilespmem:s28+$0xC800] =	vst v1  }
0xa4: {  	v1 =	vld.idx.msk [tilespmem:v2+s13+$0x0], $0xffff;
	_ =	sdelay $0x1  }
0xa5: {  	v2 =	vor.u32 $0x100, v0;
	_ =	sdelay $0x3  }
0xa6: {  	[tilespmem:s28+$0xC880] =	vst v1  }
0xa7: {  	v1 =	vld.idx.msk [tilespmem:v2+s13+$0x0], $0xffff;
	_ =	sdelay $0x1  }
0xa8: {  	v2 =	vor.u32 $0x180, v0;
	_ =	sdelay $0x3  }
0xa9: {  	[tilespmem:s28+$0xC900] =	vst v1  }
0xaa: {  	v1 =	vld.idx.msk [tilespmem:v2+s13+$0x0], $0xffff;
	_ =	sdelay $0x1  }
0xab: {  	v2 =	vor.u32 $0x200, v0;
	_ =	sdelay $0x3  }
0xac: {  	[tilespmem:s28+$0xC980] =	vst v1  }
0xad: {  	v1 =	vld.idx.msk [tilespmem:v2+s13+$0x0], $0xffff;
	_ =	sdelay $0x1  }
0xae: {  	v2 =	vor.u32 $0x280, v0;
	_ =	sdelay $0x3  }
0xaf: {  	[tilespmem:s28+$0xCA00] =	vst v1  }
0xb0: {  	v1 =	vld.idx.msk [tilespmem:v2+s13+$0x0], $0xffff;
	_ =	sdelay $0x1  }
0xb1: {  	v2 =	vor.u32 $0x300, v0;
	_ =	sdelay $0x3  }
0xb2: {  	[tilespmem:s28+$0xCA80] =	vst v1  }
0xb3: {  	v1 =	vld.idx.msk [tilespmem:v2+s13+$0x0], $0xffff;
	_ =	sdelay $0x1  }
0xb4: {  	v0 =	vor.u32 $0x380, v0;
	_ =	sdelay $0x3  }
0xb5: {  	[tilespmem:s28+$0xCB00] =	vst v1  }
0xb6: {  	v0 =	vld.idx.msk [tilespmem:v0+s13+$0x0], $0xffff  }
.Ltmp4:
0xb7: {  	(pc) =	sbr.rel @p0 .LBB2_9-.Ltmp4, $4  }
0xb8: {  	s28 =	sand.u32 $0x7, s25  }
0xb9: {  	s28 =	sshll.u32 s28, $0x4  }
0xba: {  	s28 =	sadd.s32 s28, s23  }
0xbb: {  	s28 =	sor.u32 $0x380, s28  }
0xbc: {  	s21 =	sadd.s32 $0x1, s21  }
0xbd: {  	p0 =	sne.s32 s21, $0x20  }
.Ltmp5:
0xbe: {  	_ = 	snop;
	(pc) =	sbr.rel @p0 .LBB2_2-.Ltmp5, $3  }
0xbf: {  	_ =	sdelay $0x1  }
0xc0: {  	[tilespmem:s28+$0xC800] =	vst v0;
	s22 =	sadd.s32 s4, s22  }
0xc1: {  	[hbm4b:s22+s5] =	stream.linear.scatter [tilespmem:s18], [sflag:$0x4], $0x4000, $0x38;
	[tilespmem:$0x10800] =	vst v63  }
0xc2: {  	s20 =	sadd.s32 $0x1, s20  }
0xc3: {  	_ =	swait.ge [sflag:s19], $0x4000;
	p0 =	sne.s32 s20, s10  }
.Ltmp6:
0xc4: {  	[sflag:s19] =	ssyncset.done $0x0;
	(pc) =	sbr.rel @p0 .LBB2_1-.Ltmp6, $4  }
0xc5: {  	[sflag:s19] =	ssyncadd.s32 $0xFFFFC000  }
0xc6: {  	_ =	swait.ge [sflag:s17], $0x4000  }
0xc7: {  	[sflag:s17] =	ssyncset.done $0x0  }
0xc8: {  	[sflag:s17] =	ssyncadd.s32 $0xFFFFC000  }
0xc9: {  	_ =	sfence.sel $0x180000  }
0xca: {  	[bflag:$0x0] =	sbarrier.arrive $0xFFFF  }
0xcb: {  	p0 =	sne.s32 s3, $0x0;
	_ =	strace $0x90000047  }
0xcc: {  	s0 =	sadd.s32 @!p0 $0x100000, s0;
	[bflag:$0x2] =	sbarrier.arrive $0xFFFF  }
0xcd: {  	[sflag:s0] =	ssyncadd.tile.s32 @!p0 $0x1;
	_ =	shalt  }
.Lfunc_end2:
_tile_overlayer_lowered:
.L_overlay_start_2:
0xce: {  	(tag) =	ssettag $0x2  }
0xcf: {  	s0 =	rddreg [dreg:$0x0];
	s2 =	stileid.u32  }
0xd0: {  	s1 =	rddreg [dreg:$0x1];
	p0 =	sne.s32 s2, $0x0  }
0xd1: {  	s3 =	rddreg [dreg:$0x2];
	[bflag:$0x3] =	sbarrier.arrive $0xFFFF;
	s2 =	simm.s32 @!p0 $0x1C05  }
0xd2: {  	[timem:s3], [sflag:s2] =	dma.local @!p0 [hbm:s0], s1  }
0xd3: {  	s0 =	simm.s32 @!p0 $0x5  }
0xd4: {  	_ =	swait.ge @!p0 [sflag:s0], s1  }
0xd5: {  	s1 =	ssub.s32 @!p0 $0x0, s1;
	[sflag:s0] =	ssyncset.done @!p0 $0x0  }
0xd6: {  	[sflag:s0] =	ssyncadd.s32 @!p0 s1  }
0xd7: {  	[bflag:$0x3] =	sbarrier.arrive $0xFFFF  }
0xd8: {  	_ =	shalt  }

</sc_bundles>
